<compile_context>
chip_gen: v7x
topology: tpu7x:2x2x1
jax: 0.10.2.dev20260603
libtpu: 0.0.44.dev20260713+nightly
codegen_flags: <defaults>
</compile_context>

<pallas_src>
import functools

import jax
import jax.numpy as jnp
from jax import lax
from jax.experimental import pallas as pl
from jax.experimental.pallas import tpu as pltpu
from jax.experimental.pallas import tpu_sc as plsc

N_ROWS = 16384
NC = 2
NS = 16
NW = NC * NS
PER_W = N_ROWS // NW

_MESH = plsc.VectorSubcoreMesh(core_axis_name="c", subcore_axis_name="s")


@functools.partial(
    pl.kernel,
    out_type=jax.ShapeDtypeStruct((N_ROWS,), jnp.float32),
    mesh=_MESH,
    scratch_types=[
        pltpu.VMEM((PER_W,), jnp.float32),
        pltpu.VMEM((8, 128), jnp.float32),
    ],
    compiler_params=pltpu.CompilerParams(needs_layout_passes=False),
)
def _probe(state_hbm, idx_hbm, out_hbm, vals_v, tile_v):
    wid = lax.axis_index("s") * NC + lax.axis_index("c")
    base = wid * PER_W
    for g in range(PER_W // 16):
        vals_v[pl.ds(g * 16, 16)] = jnp.zeros((16,), jnp.float32)
    pltpu.sync_copy(state_hbm.at[pl.ds(base, 8), pl.ds(0, 128)], tile_v)
    pltpu.sync_copy(vals_v, out_hbm.at[pl.ds(base, PER_W)])


def kernel(state, index):
    idx = jnp.full((16,), index, dtype=jnp.int32)
    return _probe(state, idx)

# --- scband reference (transcript-rebuilt; emitter-appended) ---
"""Pipeline reference for scband-probe-73924977099061 (READ-ONLY COPY).

The authoritative reference and input builder live on the scoring server;
editing this copy changes nothing except your own understanding.
"""

import jax, jax.numpy as jnp
import numpy as np


def index_init(Nx, Ny, pad, lattice, index):
    ind = 0
    ind_ = 0
    real_index = -1
    if lattice == 'square':
        for i in range(int(Ny)):
            for j in range(int(Nx)):
                if i < pad or i >= pad + int(Ny):
                    pass
                elif j < pad or j >= pad + int(Nx):
                    pass
                else:
                    if index == ind_:
                        return ind
                    ind_ = ind_ + 1
                ind = ind + 1
    elif lattice == 'hex':
        for i in range(int(Ny)):
            if i % 2 == 0:
                for j in range(int(Nx)):
                    if i < pad or i >= pad + int(Ny):
                        pass
                    elif j < pad or j >= pad + int(Nx):
                        pass
                    else:
                        if index == ind_:
                            return ind
                        ind_ = ind_ + 1
                    ind = ind + 1
            else:
                for j in range(int(Nx) - 1):
                    if i < pad or i >= pad + int(Ny):
                        pass
                    elif j < pad or j >= pad + int(Nx) - 1:
                        pass
                    else:
                        if index == ind_:
                            return ind
                        ind_ = ind_ + 1
                    ind = ind + 1
    return real_index


def setup_inputs(seed: int = 0) -> dict:
    key = jax.random.key(seed)
    Nx, Ny, pad, lattice, index = 128, 128, 0, 'hex', 100
    real_index = index_init(Nx + pad * 2, Ny + pad * 2, pad, lattice, index)
    # hex lattice site count: 64 even rows * 128 + 64 odd rows * 127 = 16320
    n_sites = 16320
    state = jax.random.normal(key, (16384, n_sites), dtype=jnp.float32)
    return {"state": state, "index": int(real_index)}


def reference(state, index):
    # forward: state[:, self.index] -- single-column gather
    return state[:, index]

if __name__ == "__main__":
    import jax
    _d = setup_inputs()
    print(jax.jit(kernel)(*tuple(_d.values())))

</pallas_src>

<mosaic_0001>
#map = affine_map<(d0, d1) -> (0, 0)>
#map1 = affine_map<(d0, d1) -> (0)>
module attributes {stable_mosaic.version = 14 : i64} {
  func.func @_probe(%arg0: i32, %arg1: i32, %arg2: memref<16384x16320xf32, #tpu.memory_space<hbm>>, %arg3: memref<16xi32, #tpu.memory_space<hbm>>, %arg4: memref<16384xf32, #tpu.memory_space<hbm>>, %arg5: memref<512xf32, #tpu.memory_space<vmem>>, %arg6: memref<8x128xf32, #tpu.memory_space<vmem>>) attributes {dimension_semantics = [#tpu.dimension_semantics<core_parallel>, #tpu.dimension_semantics<subcore_parallel>], iteration_bounds = array<i64: 2, 16>, scalar_prefetch = 0 : i64, scratch_operands = 2 : i64, tpu.core_type = #tpu.core_type<sc_vector_subcore>, window_params = [{transform_indices = #map}, {transform_indices = #map1}, {transform_indices = #map1}]} {
    %mul3A = arith.constant 2 : i32
    %mul3A_0 = arith.muli %arg1, %mul3A : i32
    %add3A = arith.addi %mul3A_0, %arg0 : i32
    %mul3A_1 = arith.constant 512 : i32
    %mul3A_2 = arith.muli %add3A, %mul3A_1 : i32
    %broadcast_in_dim3A = arith.constant 0.000000e+00 : f32
    %broadcast_in_dim3A_3 = vector.broadcast %broadcast_in_dim3A : f32 to vector<16xf32>
    %swap3A = arith.constant 0 : index
    %swap3A_4 = tpu.vector_load %arg5[%swap3A] {strides = array<i32>} : memref<512xf32, #tpu.memory_space<vmem>>, vector<16xf32>,
    tpu.vector_store %arg5[%swap3A], %broadcast_in_dim3A_3 {strides = array<i32>} : memref<512xf32, #tpu.memory_space<vmem>>, vector<16xf32>,
    %broadcast_in_dim3A_5 = arith.constant 0.000000e+00 : f32
    %broadcast_in_dim3A_6 = vector.broadcast %broadcast_in_dim3A_5 : f32 to vector<16xf32>
    %swap3A_7 = arith.constant 16 : index
    %swap3A_8 = tpu.vector_load %arg5[%swap3A_7] {strides = array<i32>} : memref<512xf32, #tpu.memory_space<vmem>>, vector<16xf32>,
    tpu.vector_store %arg5[%swap3A_7], %broadcast_in_dim3A_6 {strides = array<i32>} : memref<512xf32, #tpu.memory_space<vmem>>, vector<16xf32>,
    %broadcast_in_dim3A_9 = arith.constant 0.000000e+00 : f32
    %broadcast_in_dim3A_10 = vector.broadcast %broadcast_in_dim3A_9 : f32 to vector<16xf32>
    %swap3A_11 = arith.constant 32 : index
    %swap3A_12 = tpu.vector_load %arg5[%swap3A_11] {strides = array<i32>} : memref<512xf32, #tpu.memory_space<vmem>>, vector<16xf32>,
    tpu.vector_store %arg5[%swap3A_11], %broadcast_in_dim3A_10 {strides = array<i32>} : memref<512xf32, #tpu.memory_space<vmem>>, vector<16xf32>,
    %broadcast_in_dim3A_13 = arith.constant 0.000000e+00 : f32
    %broadcast_in_dim3A_14 = vector.broadcast %broadcast_in_dim3A_13 : f32 to vector<16xf32>
    %swap3A_15 = arith.constant 48 : index
    %swap3A_16 = tpu.vector_load %arg5[%swap3A_15] {strides = array<i32>} : memref<512xf32, #tpu.memory_space<vmem>>, vector<16xf32>,
    tpu.vector_store %arg5[%swap3A_15], %broadcast_in_dim3A_14 {strides = array<i32>} : memref<512xf32, #tpu.memory_space<vmem>>, vector<16xf32>,
    %broadcast_in_dim3A_17 = arith.constant 0.000000e+00 : f32
    %broadcast_in_dim3A_18 = vector.broadcast %broadcast_in_dim3A_17 : f32 to vector<16xf32>
    %swap3A_19 = arith.constant 64 : index
    %swap3A_20 = tpu.vector_load %arg5[%swap3A_19] {strides = array<i32>} : memref<512xf32, #tpu.memory_space<vmem>>, vector<16xf32>,
    tpu.vector_store %arg5[%swap3A_19], %broadcast_in_dim3A_18 {strides = array<i32>} : memref<512xf32, #tpu.memory_space<vmem>>, vector<16xf32>,
    %broadcast_in_dim3A_21 = arith.constant 0.000000e+00 : f32
    %broadcast_in_dim3A_22 = vector.broadcast %broadcast_in_dim3A_21 : f32 to vector<16xf32>
    %swap3A_23 = arith.constant 80 : index
    %swap3A_24 = tpu.vector_load %arg5[%swap3A_23] {strides = array<i32>} : memref<512xf32, #tpu.memory_space<vmem>>, vector<16xf32>,
    tpu.vector_store %arg5[%swap3A_23], %broadcast_in_dim3A_22 {strides = array<i32>} : memref<512xf32, #tpu.memory_space<vmem>>, vector<16xf32>,
    %broadcast_in_dim3A_25 = arith.constant 0.000000e+00 : f32
    %broadcast_in_dim3A_26 = vector.broadcast %broadcast_in_dim3A_25 : f32 to vector<16xf32>
    %swap3A_27 = arith.constant 96 : index
    %swap3A_28 = tpu.vector_load %arg5[%swap3A_27] {strides = array<i32>} : memref<512xf32, #tpu.memory_space<vmem>>, vector<16xf32>,
    tpu.vector_store %arg5[%swap3A_27], %broadcast_in_dim3A_26 {strides = array<i32>} : memref<512xf32, #tpu.memory_space<vmem>>, vector<16xf32>,
    %broadcast_in_dim3A_29 = arith.constant 0.000000e+00 : f32
    %broadcast_in_dim3A_30 = vector.broadcast %broadcast_in_dim3A_29 : f32 to vector<16xf32>
    %swap3A_31 = arith.constant 112 : index
    %swap3A_32 = tpu.vector_load %arg5[%swap3A_31] {strides = array<i32>} : memref<512xf32, #tpu.memory_space<vmem>>, vector<16xf32>,
    tpu.vector_store %arg5[%swap3A_31], %broadcast_in_dim3A_30 {strides = array<i32>} : memref<512xf32, #tpu.memory_space<vmem>>, vector<16xf32>,
    %broadcast_in_dim3A_33 = arith.constant 0.000000e+00 : f32
    %broadcast_in_dim3A_34 = vector.broadcast %broadcast_in_dim3A_33 : f32 to vector<16xf32>
    %swap3A_35 = arith.constant 128 : index
    %swap3A_36 = tpu.vector_load %arg5[%swap3A_35] {strides = array<i32>} : memref<512xf32, #tpu.memory_space<vmem>>, vector<16xf32>,
    tpu.vector_store %arg5[%swap3A_35], %broadcast_in_dim3A_34 {strides = array<i32>} : memref<512xf32, #tpu.memory_space<vmem>>, vector<16xf32>,
    %broadcast_in_dim3A_37 = arith.constant 0.000000e+00 : f32
    %broadcast_in_dim3A_38 = vector.broadcast %broadcast_in_dim3A_37 : f32 to vector<16xf32>
    %swap3A_39 = arith.constant 144 : index
    %swap3A_40 = tpu.vector_load %arg5[%swap3A_39] {strides = array<i32>} : memref<512xf32, #tpu.memory_space<vmem>>, vector<16xf32>,
    tpu.vector_store %arg5[%swap3A_39], %broadcast_in_dim3A_38 {strides = array<i32>} : memref<512xf32, #tpu.memory_space<vmem>>, vector<16xf32>,
    %broadcast_in_dim3A_41 = arith.constant 0.000000e+00 : f32
    %broadcast_in_dim3A_42 = vector.broadcast %broadcast_in_dim3A_41 : f32 to vector<16xf32>
    %swap3A_43 = arith.constant 160 : index
    %swap3A_44 = tpu.vector_load %arg5[%swap3A_43] {strides = array<i32>} : memref<512xf32, #tpu.memory_space<vmem>>, vector<16xf32>,
    tpu.vector_store %arg5[%swap3A_43], %broadcast_in_dim3A_42 {strides = array<i32>} : memref<512xf32, #tpu.memory_space<vmem>>, vector<16xf32>,
    %broadcast_in_dim3A_45 = arith.constant 0.000000e+00 : f32
    %broadcast_in_dim3A_46 = vector.broadcast %broadcast_in_dim3A_45 : f32 to vector<16xf32>
    %swap3A_47 = arith.constant 176 : index
    %swap3A_48 = tpu.vector_load %arg5[%swap3A_47] {strides = array<i32>} : memref<512xf32, #tpu.memory_space<vmem>>, vector<16xf32>,
    tpu.vector_store %arg5[%swap3A_47], %broadcast_in_dim3A_46 {strides = array<i32>} : memref<512xf32, #tpu.memory_space<vmem>>, vector<16xf32>,
    %broadcast_in_dim3A_49 = arith.constant 0.000000e+00 : f32
    %broadcast_in_dim3A_50 = vector.broadcast %broadcast_in_dim3A_49 : f32 to vector<16xf32>
    %swap3A_51 = arith.constant 192 : index
    %swap3A_52 = tpu.vector_load %arg5[%swap3A_51] {strides = array<i32>} : memref<512xf32, #tpu.memory_space<vmem>>, vector<16xf32>,
    tpu.vector_store %arg5[%swap3A_51], %broadcast_in_dim3A_50 {strides = array<i32>} : memref<512xf32, #tpu.memory_space<vmem>>, vector<16xf32>,
    %broadcast_in_dim3A_53 = arith.constant 0.000000e+00 : f32
    %broadcast_in_dim3A_54 = vector.broadcast %broadcast_in_dim3A_53 : f32 to vector<16xf32>
    %swap3A_55 = arith.constant 208 : index
    %swap3A_56 = tpu.vector_load %arg5[%swap3A_55] {strides = array<i32>} : memref<512xf32, #tpu.memory_space<vmem>>, vector<16xf32>,
    tpu.vector_store %arg5[%swap3A_55], %broadcast_in_dim3A_54 {strides = array<i32>} : memref<512xf32, #tpu.memory_space<vmem>>, vector<16xf32>,
    %broadcast_in_dim3A_57 = arith.constant 0.000000e+00 : f32
    %broadcast_in_dim3A_58 = vector.broadcast %broadcast_in_dim3A_57 : f32 to vector<16xf32>
    %swap3A_59 = arith.constant 224 : index
    %swap3A_60 = tpu.vector_load %arg5[%swap3A_59] {strides = array<i32>} : memref<512xf32, #tpu.memory_space<vmem>>, vector<16xf32>,
    tpu.vector_store %arg5[%swap3A_59], %broadcast_in_dim3A_58 {strides = array<i32>} : memref<512xf32, #tpu.memory_space<vmem>>, vector<16xf32>,
    %broadcast_in_dim3A_61 = arith.constant 0.000000e+00 : f32
    %broadcast_in_dim3A_62 = vector.broadcast %broadcast_in_dim3A_61 : f32 to vector<16xf32>
    %swap3A_63 = arith.constant 240 : index
    %swap3A_64 = tpu.vector_load %arg5[%swap3A_63] {strides = array<i32>} : memref<512xf32, #tpu.memory_space<vmem>>, vector<16xf32>,
    tpu.vector_store %arg5[%swap3A_63], %broadcast_in_dim3A_62 {strides = array<i32>} : memref<512xf32, #tpu.memory_space<vmem>>, vector<16xf32>,
    %broadcast_in_dim3A_65 = arith.constant 0.000000e+00 : f32
    %broadcast_in_dim3A_66 = vector.broadcast %broadcast_in_dim3A_65 : f32 to vector<16xf32>
    %swap3A_67 = arith.constant 256 : index
    %swap3A_68 = tpu.vector_load %arg5[%swap3A_67] {strides = array<i32>} : memref<512xf32, #tpu.memory_space<vmem>>, vector<16xf32>,
    tpu.vector_store %arg5[%swap3A_67], %broadcast_in_dim3A_66 {strides = array<i32>} : memref<512xf32, #tpu.memory_space<vmem>>, vector<16xf32>,
    %broadcast_in_dim3A_69 = arith.constant 0.000000e+00 : f32
    %broadcast_in_dim3A_70 = vector.broadcast %broadcast_in_dim3A_69 : f32 to vector<16xf32>
    %swap3A_71 = arith.constant 272 : index
    %swap3A_72 = tpu.vector_load %arg5[%swap3A_71] {strides = array<i32>} : memref<512xf32, #tpu.memory_space<vmem>>, vector<16xf32>,
    tpu.vector_store %arg5[%swap3A_71], %broadcast_in_dim3A_70 {strides = array<i32>} : memref<512xf32, #tpu.memory_space<vmem>>, vector<16xf32>,
    %broadcast_in_dim3A_73 = arith.constant 0.000000e+00 : f32
    %broadcast_in_dim3A_74 = vector.broadcast %broadcast_in_dim3A_73 : f32 to vector<16xf32>
    %swap3A_75 = arith.constant 288 : index
    %swap3A_76 = tpu.vector_load %arg5[%swap3A_75] {strides = array<i32>} : memref<512xf32, #tpu.memory_space<vmem>>, vector<16xf32>,
    tpu.vector_store %arg5[%swap3A_75], %broadcast_in_dim3A_74 {strides = array<i32>} : memref<512xf32, #tpu.memory_space<vmem>>, vector<16xf32>,
    %broadcast_in_dim3A_77 = arith.constant 0.000000e+00 : f32
    %broadcast_in_dim3A_78 = vector.broadcast %broadcast_in_dim3A_77 : f32 to vector<16xf32>
    %swap3A_79 = arith.constant 304 : index
    %swap3A_80 = tpu.vector_load %arg5[%swap3A_79] {strides = array<i32>} : memref<512xf32, #tpu.memory_space<vmem>>, vector<16xf32>,
    tpu.vector_store %arg5[%swap3A_79], %broadcast_in_dim3A_78 {strides = array<i32>} : memref<512xf32, #tpu.memory_space<vmem>>, vector<16xf32>,
    %broadcast_in_dim3A_81 = arith.constant 0.000000e+00 : f32
    %broadcast_in_dim3A_82 = vector.broadcast %broadcast_in_dim3A_81 : f32 to vector<16xf32>
    %swap3A_83 = arith.constant 320 : index
    %swap3A_84 = tpu.vector_load %arg5[%swap3A_83] {strides = array<i32>} : memref<512xf32, #tpu.memory_space<vmem>>, vector<16xf32>,
    tpu.vector_store %arg5[%swap3A_83], %broadcast_in_dim3A_82 {strides = array<i32>} : memref<512xf32, #tpu.memory_space<vmem>>, vector<16xf32>,
    %broadcast_in_dim3A_85 = arith.constant 0.000000e+00 : f32
    %broadcast_in_dim3A_86 = vector.broadcast %broadcast_in_dim3A_85 : f32 to vector<16xf32>
    %swap3A_87 = arith.constant 336 : index
    %swap3A_88 = tpu.vector_load %arg5[%swap3A_87] {strides = array<i32>} : memref<512xf32, #tpu.memory_space<vmem>>, vector<16xf32>,
    tpu.vector_store %arg5[%swap3A_87], %broadcast_in_dim3A_86 {strides = array<i32>} : memref<512xf32, #tpu.memory_space<vmem>>, vector<16xf32>,
    %broadcast_in_dim3A_89 = arith.constant 0.000000e+00 : f32
    %broadcast_in_dim3A_90 = vector.broadcast %broadcast_in_dim3A_89 : f32 to vector<16xf32>
    %swap3A_91 = arith.constant 352 : index
    %swap3A_92 = tpu.vector_load %arg5[%swap3A_91] {strides = array<i32>} : memref<512xf32, #tpu.memory_space<vmem>>, vector<16xf32>,
    tpu.vector_store %arg5[%swap3A_91], %broadcast_in_dim3A_90 {strides = array<i32>} : memref<512xf32, #tpu.memory_space<vmem>>, vector<16xf32>,
    %broadcast_in_dim3A_93 = arith.constant 0.000000e+00 : f32
    %broadcast_in_dim3A_94 = vector.broadcast %broadcast_in_dim3A_93 : f32 to vector<16xf32>
    %swap3A_95 = arith.constant 368 : index
    %swap3A_96 = tpu.vector_load %arg5[%swap3A_95] {strides = array<i32>} : memref<512xf32, #tpu.memory_space<vmem>>, vector<16xf32>,
    tpu.vector_store %arg5[%swap3A_95], %broadcast_in_dim3A_94 {strides = array<i32>} : memref<512xf32, #tpu.memory_space<vmem>>, vector<16xf32>,
    %broadcast_in_dim3A_97 = arith.constant 0.000000e+00 : f32
    %broadcast_in_dim3A_98 = vector.broadcast %broadcast_in_dim3A_97 : f32 to vector<16xf32>
    %swap3A_99 = arith.constant 384 : index
    %swap3A_100 = tpu.vector_load %arg5[%swap3A_99] {strides = array<i32>} : memref<512xf32, #tpu.memory_space<vmem>>, vector<16xf32>,
    tpu.vector_store %arg5[%swap3A_99], %broadcast_in_dim3A_98 {strides = array<i32>} : memref<512xf32, #tpu.memory_space<vmem>>, vector<16xf32>,
    %broadcast_in_dim3A_101 = arith.constant 0.000000e+00 : f32
    %broadcast_in_dim3A_102 = vector.broadcast %broadcast_in_dim3A_101 : f32 to vector<16xf32>
    %swap3A_103 = arith.constant 400 : index
    %swap3A_104 = tpu.vector_load %arg5[%swap3A_103] {strides = array<i32>} : memref<512xf32, #tpu.memory_space<vmem>>, vector<16xf32>,
    tpu.vector_store %arg5[%swap3A_103], %broadcast_in_dim3A_102 {strides = array<i32>} : memref<512xf32, #tpu.memory_space<vmem>>, vector<16xf32>,
    %broadcast_in_dim3A_105 = arith.constant 0.000000e+00 : f32
    %broadcast_in_dim3A_106 = vector.broadcast %broadcast_in_dim3A_105 : f32 to vector<16xf32>
    %swap3A_107 = arith.constant 416 : index
    %swap3A_108 = tpu.vector_load %arg5[%swap3A_107] {strides = array<i32>} : memref<512xf32, #tpu.memory_space<vmem>>, vector<16xf32>,
    tpu.vector_store %arg5[%swap3A_107], %broadcast_in_dim3A_106 {strides = array<i32>} : memref<512xf32, #tpu.memory_space<vmem>>, vector<16xf32>,
    %broadcast_in_dim3A_109 = arith.constant 0.000000e+00 : f32
    %broadcast_in_dim3A_110 = vector.broadcast %broadcast_in_dim3A_109 : f32 to vector<16xf32>
    %swap3A_111 = arith.constant 432 : index
    %swap3A_112 = tpu.vector_load %arg5[%swap3A_111] {strides = array<i32>} : memref<512xf32, #tpu.memory_space<vmem>>, vector<16xf32>,
    tpu.vector_store %arg5[%swap3A_111], %broadcast_in_dim3A_110 {strides = array<i32>} : memref<512xf32, #tpu.memory_space<vmem>>, vector<16xf32>,
    %broadcast_in_dim3A_113 = arith.constant 0.000000e+00 : f32
    %broadcast_in_dim3A_114 = vector.broadcast %broadcast_in_dim3A_113 : f32 to vector<16xf32>
    %swap3A_115 = arith.constant 448 : index
    %swap3A_116 = tpu.vector_load %arg5[%swap3A_115] {strides = array<i32>} : memref<512xf32, #tpu.memory_space<vmem>>, vector<16xf32>,
    tpu.vector_store %arg5[%swap3A_115], %broadcast_in_dim3A_114 {strides = array<i32>} : memref<512xf32, #tpu.memory_space<vmem>>, vector<16xf32>,
    %broadcast_in_dim3A_117 = arith.constant 0.000000e+00 : f32
    %broadcast_in_dim3A_118 = vector.broadcast %broadcast_in_dim3A_117 : f32 to vector<16xf32>
    %swap3A_119 = arith.constant 464 : index
    %swap3A_120 = tpu.vector_load %arg5[%swap3A_119] {strides = array<i32>} : memref<512xf32, #tpu.memory_space<vmem>>, vector<16xf32>,
    tpu.vector_store %arg5[%swap3A_119], %broadcast_in_dim3A_118 {strides = array<i32>} : memref<512xf32, #tpu.memory_space<vmem>>, vector<16xf32>,
    %broadcast_in_dim3A_121 = arith.constant 0.000000e+00 : f32
    %broadcast_in_dim3A_122 = vector.broadcast %broadcast_in_dim3A_121 : f32 to vector<16xf32>
    %swap3A_123 = arith.constant 480 : index
    %swap3A_124 = tpu.vector_load %arg5[%swap3A_123] {strides = array<i32>} : memref<512xf32, #tpu.memory_space<vmem>>, vector<16xf32>,
    tpu.vector_store %arg5[%swap3A_123], %broadcast_in_dim3A_122 {strides = array<i32>} : memref<512xf32, #tpu.memory_space<vmem>>, vector<16xf32>,
    %broadcast_in_dim3A_125 = arith.constant 0.000000e+00 : f32
    %broadcast_in_dim3A_126 = vector.broadcast %broadcast_in_dim3A_125 : f32 to vector<16xf32>
    %swap3A_127 = arith.constant 496 : index
    %swap3A_128 = tpu.vector_load %arg5[%swap3A_127] {strides = array<i32>} : memref<512xf32, #tpu.memory_space<vmem>>, vector<16xf32>,
    tpu.vector_store %arg5[%swap3A_127], %broadcast_in_dim3A_126 {strides = array<i32>} : memref<512xf32, #tpu.memory_space<vmem>>, vector<16xf32>,
    "tpu.region"() ({
      %run_scoped3A = tpu.sem_alloc : memref<!tpu.dma_semaphore, #tpu.memory_space<semaphore_mem>>
      %dma_start3A = arith.constant 0 : i32
      %dma_start3A_129 = tpu.memref_slice %arg2[%mul3A_2, %dma_start3A] : memref<16384x16320xf32, #tpu.memory_space<hbm>> -> memref<8x128xf32, #tpu.memory_space<hbm>>
      %dma_start3A_130 = arith.constant 0 : i32
      %dma_start3A_131 = tpu.memref_slice %arg2[%mul3A_2, %dma_start3A_130] : memref<16384x16320xf32, #tpu.memory_space<hbm>> -> memref<8x128xf32, #tpu.memory_space<hbm>>
      tpu.enqueue_dma source(%dma_start3A_131 : memref<8x128xf32, #tpu.memory_space<hbm>>) target(%arg6 : memref<8x128xf32, #tpu.memory_space<vmem>>) target_semaphore(%run_scoped3A : memref<!tpu.dma_semaphore, #tpu.memory_space<semaphore_mem>>)
      %dma_wait3A = arith.constant 0 : i32
      %dma_wait3A_132 = tpu.memref_slice %arg2[%mul3A_2, %dma_wait3A] : memref<16384x16320xf32, #tpu.memory_space<hbm>> -> memref<8x128xf32, #tpu.memory_space<hbm>>
      %dma_wait3A_133 = arith.constant 0 : i32
      %dma_wait3A_134 = tpu.memref_slice %arg2[%mul3A_2, %dma_wait3A_133] : memref<16384x16320xf32, #tpu.memory_space<hbm>> -> memref<8x128xf32, #tpu.memory_space<hbm>>
      tpu.wait_dma2 semaphore(%run_scoped3A : memref<!tpu.dma_semaphore, #tpu.memory_space<semaphore_mem>>) src(%dma_wait3A_134 : memref<8x128xf32, #tpu.memory_space<hbm>>) dst(%arg6 : memref<8x128xf32, #tpu.memory_space<vmem>>)
      tpu.yield
    }) : () -> ()
    "tpu.region"() ({
      %run_scoped3A = tpu.sem_alloc : memref<!tpu.dma_semaphore, #tpu.memory_space<semaphore_mem>>
      %dma_start3A = tpu.memref_slice %arg4[%mul3A_2] : memref<16384xf32, #tpu.memory_space<hbm>> -> memref<512xf32, #tpu.memory_space<hbm>>
      %dma_start3A_129 = tpu.memref_slice %arg4[%mul3A_2] : memref<16384xf32, #tpu.memory_space<hbm>> -> memref<512xf32, #tpu.memory_space<hbm>>
      tpu.enqueue_dma source(%arg5 : memref<512xf32, #tpu.memory_space<vmem>>) target(%dma_start3A_129 : memref<512xf32, #tpu.memory_space<hbm>>) target_semaphore(%run_scoped3A : memref<!tpu.dma_semaphore, #tpu.memory_space<semaphore_mem>>)
      %dma_wait3A = tpu.memref_slice %arg4[%mul3A_2] : memref<16384xf32, #tpu.memory_space<hbm>> -> memref<512xf32, #tpu.memory_space<hbm>>
      %dma_wait3A_130 = tpu.memref_slice %arg4[%mul3A_2] : memref<16384xf32, #tpu.memory_space<hbm>> -> memref<512xf32, #tpu.memory_space<hbm>>
      tpu.wait_dma2 semaphore(%run_scoped3A : memref<!tpu.dma_semaphore, #tpu.memory_space<semaphore_mem>>) src(%arg5 : memref<512xf32, #tpu.memory_space<vmem>>) dst(%dma_wait3A_130 : memref<512xf32, #tpu.memory_space<hbm>>)
      tpu.yield
    }) : () -> ()
    return
  }
}

</mosaic_0001>

<sc_bundles>
// kernel: kernel.3.cloned.1.call-start
scs
__scs_entry_jumppad:
0x0: {  	(pc) =	sbr.rel $0x88, $3  }
0x1: {  	(tag) =	ssettag $0x0;
	lr =	simm.s32 $0x1  }
0x2: {  	[smem:$0x3F9F] =	sst lr;
	_ =	strace $0xD0000000  }
0x3: {  	_ = 	snop  }
0x4: {  	_ = 	snop  }
0x5: {  	_ = 	snop  }
0x6: {  	_ = 	snop  }
0x7: {  	_ = 	snop  }
__scs_overlays_trampoline_lowered:
0x8: {  	[smem:$0x3FAE] =	sst s0  }
0x9: {  	[smem:$0x3FAF] =	sst s1  }
0xa: {  	[smem:$0x3FB0] =	sst s2  }
0xb: {  	[smem:$0x3FB1] =	sst s3  }
0xc: {  	[smem:$0x3FB2] =	sst s4  }
0xd: {  	[smem:$0x3FB3] =	sst s5  }
0xe: {  	[smem:$0x3FB4] =	sst s6  }
0xf: {  	[smem:$0x3FB5] =	sst s7  }
0x10: {  	[smem:$0x3FB6] =	sst s8  }
0x11: {  	[smem:$0x3FB7] =	sst s9;
	s0 =	simm.s32 @!p0 $0x0  }
0x12: {  	s1 =	sld [smem:$0x3F9D];
	s0 =	simm.s32 @p0 $0x1  }
0x13: {  	[smem:$0x3FB8] =	sst s0;
	s0 =	simm.s32 @!p1 $0x0  }
0x14: {  	s2 =	sld [smem:$0x3F9C];
	s0 =	simm.s32 @p1 $0x1  }
0x15: {  	[smem:$0x3FB9] =	sst s0;
	s0 =	simm.s32 @!p2 $0x0  }
0x16: {  	s3 =	sld [smem:$0x3FDB];
	s0 =	simm.s32 @p2 $0x1  }
0x17: {  	s4 =	simm.s32 $0x1BF5;
	[smem:$0x3FBB] =	sst s0  }
0x18: {  	s0 =	sld [smem:$0x3F9E];
	_ =	swait.ge [sflag:s4], $0x0  }
0x19: {  	s7 =	sld [smem:$0x3F9F]  }
0x1a: {  	s8 =	sadd.s32 $0xFFFFE003, lr  }
0x1b: {  	s9 =	sadd.s32 $0xFFFFFEF7, lr;
	s5 =	simm.s32 $0xFFFFFFFF;
	p2 =	slt.u32 s8, $0xFFFFF086  }
0x1c: {  	p1 =	slt.u32 s9, $0xF7A;
	s5 =	simm.s32 @!p2 $0x0  }
0x1d: {  	s5 =	simm.s32 @p1 $0x1;
	p0 =	seq.s32 s7, s2  }
0x1e: {  	s7 =	smul.u32 @!p0 $0xF7A, s2;
	p2 =	seq.s32 @!p0 s5, $0x0  }
0x1f: {  	s9 =	smul.u32 $0xF7A, s1;
	s8 =	simm.s32 @!p0 $0x1BF5;
	p2 =	por !p2, p0  }
0x20: {  	[sflag:s8] =	ssyncset.s32 @!p0 $0xFFFFF086;
	s6 =	sadd.s32 @!p0 s3, s7;
	s7 =	simm.s32 @!p0 $0x108  }
0x21: {  	s3 =	sadd.s32 s3, s9;
	s6 =	sadd.s32 @!p0 $0x88, s6;
	s7 =	simm.s32 @p2 $0x1082  }
0x22: {  	[simem:s7], [sflag:s8] =	dma.local @!p0 [hbm:s6], $0xF7A  }
0x23: {  	s9 =	sor.u32 $0xD0000000, s2;
	s6 =	simm.s32 $0x108;
	_ =	swait.ge @!p0 [sflag:s8], $0x0  }
0x24: {  	s3 =	sadd.s32 $0x88, s3;
	s6 =	simm.s32 @!p1 $0x1082;
	[sflag:s4] =	ssyncset.s32 $0xFFFFF086  }
0x25: {  	[simem:s6], [sflag:s4] =	dma.local [hbm:s3], $0xF7A  }
0x26: {  	[smem:$0x3F9F] =	sst s1;
	(tag) =	ssettag s2;
	_ =	strace s9  }
0x27: {  	s1 =	sld [smem:$0x3FAF]  }
0x28: {  	s2 =	sld [smem:$0x3FB0]  }
0x29: {  	s4 =	sld [smem:$0x3FB2]  }
0x2a: {  	p0 =	seq.s32 s5, $0x0;
	s5 =	sld [smem:$0x3FB3]  }
0x2b: {  	s6 =	sld [smem:$0x3FB4]  }
0x2c: {  	s7 =	sld [smem:$0x3FB5]  }
0x2d: {  	s3 =	simm.s32 $0x108;
	s8 =	sld [smem:$0x3FB6]  }
0x2e: {  	s3 =	simm.s32 @!p0 $0x1082;
	s9 =	sld [smem:$0x3FB7]  }
0x2f: {  	lr =	sadd.s32 s0, s3;
	s0 =	sld [smem:$0x3FAE]  }
0x30: {  	s3 =	sld [smem:$0x3FB1]  }
0x31: {  	[smem:$0x3FBA] =	sst s10  }
0x32: {  	s10 =	sld [smem:$0x3FB8];
	_ =	sdelay $0x3  }
0x33: {  	p0 =	seq.s32 s10, $0x1;
	s10 =	sld [smem:$0x3FBA];
	_ =	sdelay $0x3  }
0x34: {  	[smem:$0x3FBA] =	sst s10  }
0x35: {  	s10 =	sld [smem:$0x3FB9];
	_ =	sdelay $0x3  }
0x36: {  	p1 =	seq.s32 s10, $0x1;
	s10 =	sld [smem:$0x3FBA];
	_ =	sdelay $0x3  }
0x37: {  	[smem:$0x3FBA] =	sst s10  }
0x38: {  	s10 =	sld [smem:$0x3FBB]  }
0x39: {  	_ = 	snop;
	(pc) =	sbr.ind lr, $3  }
0x3a: {  	_ = 	snop  }
0x3b: {  	_ = 	snop  }
0x3c: {  	p2 =	seq.s32 s10, $0x1;
	s10 =	sld [smem:$0x3FBA]  }
0x3d: {  	_ =	shalt  }
0x3e: {  	_ =	shalt  }
0x3f: {  	_ =	shalt  }
0x40: {  	_ =	shalt  }
0x41: {  	_ =	shalt  }
0x42: {  	_ =	shalt  }
0x43: {  	_ =	shalt  }
0x44: {  	_ =	shalt  }
0x45: {  	_ =	shalt  }
0x46: {  	_ =	shalt  }
0x47: {  	_ =	shalt  }
0x48: {  	_ =	shalt  }
0x49: {  	_ =	shalt  }
0x4a: {  	_ =	shalt  }
0x4b: {  	_ =	shalt  }
0x4c: {  	_ =	shalt  }
0x4d: {  	_ =	shalt  }
0x4e: {  	_ =	shalt  }
0x4f: {  	_ =	shalt  }
0x50: {  	_ =	shalt  }
0x51: {  	_ =	shalt  }
0x52: {  	_ =	shalt  }
0x53: {  	_ =	shalt  }
0x54: {  	_ =	shalt  }
0x55: {  	_ =	shalt  }
0x56: {  	_ =	shalt  }
0x57: {  	_ =	shalt  }
0x58: {  	_ =	shalt  }
0x59: {  	_ =	shalt  }
0x5a: {  	_ =	shalt  }
0x5b: {  	_ =	shalt  }
0x5c: {  	_ =	shalt  }
0x5d: {  	_ =	shalt  }
0x5e: {  	_ =	shalt  }
0x5f: {  	_ =	shalt  }
0x60: {  	_ =	shalt  }
0x61: {  	_ =	shalt  }
0x62: {  	_ =	shalt  }
0x63: {  	_ =	shalt  }
0x64: {  	_ =	shalt  }
0x65: {  	_ =	shalt  }
0x66: {  	_ =	shalt  }
0x67: {  	_ =	shalt  }
0x68: {  	_ =	shalt  }
0x69: {  	_ =	shalt  }
0x6a: {  	_ =	shalt  }
0x6b: {  	_ =	shalt  }
0x6c: {  	_ =	shalt  }
0x6d: {  	_ =	shalt  }
0x6e: {  	_ =	shalt  }
0x6f: {  	_ =	shalt  }
0x70: {  	_ =	shalt  }
0x71: {  	_ =	shalt  }
0x72: {  	_ =	shalt  }
0x73: {  	_ =	shalt  }
0x74: {  	_ =	shalt  }
0x75: {  	_ =	shalt  }
0x76: {  	_ =	shalt  }
0x77: {  	_ =	shalt  }
0x78: {  	_ =	shalt  }
0x79: {  	_ =	shalt  }
0x7a: {  	_ =	shalt  }
0x7b: {  	_ =	shalt  }
0x7c: {  	_ =	shalt  }
0x7d: {  	_ =	shalt  }
0x7e: {  	_ =	shalt  }
0x7f: {  	_ =	shalt  }
0x80: {  	_ =	shalt  }
0x81: {  	_ =	shalt  }
0x82: {  	_ =	shalt  }
0x83: {  	_ =	shalt  }
0x84: {  	_ =	shalt  }
0x85: {  	_ =	shalt  }
0x86: {  	_ =	shalt  }
0x87: {  	_ =	shalt  }
.Lfunc_end0:
.L_simem_size_0:
called_computation_lowered:
.L_overlay_start_0:
0x88: {  	s2 =	sld [smem:$0x3FD9]  }
0x89: {  	s3 =	sld [smem:$0x3FFE];
	_ =	sdelay $0x1  }
0x8a: {  	s1 =	srdreg.scid  }
0x8b: {  	s0 =	sand.u32 $0x1, s1  }
0x8c: {  	s17 =	sshll.u32 s0, $0xA;
	s2 =	sadd.s32 s3, s2  }
0x8d: {  	s2 =	sadd.s32 s2, s17  }
0x8e: {  	[smem:$0x3FC6] =	sst s2  }
0x8f: {  	_ = 	snop  }
0x90: {  	s2 =	sld [smem:$0x3FD0];
	(tm) =	ssettm $0x1  }
0x91: {  	s18 =	sld [smem:$0x3FFB];
	_ =	sdelay $0x3  }
0x92: {  	_ =	strace s18  }
0x93: {  	s3 =	sld [smem:$0x3FFC];
	_ =	sdelay $0x3  }
0x94: {  	_ =	strace s3  }
0x95: {  	s3 =	sld [smem:$0x3FFD];
	_ =	sdelay $0x3  }
0x96: {  	_ =	strace s3  }
0x97: {  	_ =	strace $0x8FFFFFFF  }
0x98: {  	s19 =	sld [smem:$0x3FDB];
	_ =	sdelay $0x1  }
0x99: {  	s4 =	simm.s32 $_scs_section_size  }
0x9a: {  	s5 =	simm.s32 $_size__tile_overlayer_lowered;
	s6 =	simm.s32 $_tile_overlayer_lowered  }
0x9b: {  	s22 =	simm.s32 $0x1BFF;
	s21 =	sshll.u32 s6, $0x1;
	s3 =	sadd.s32 s4, s19  }
0x9c: {  	s7 =	simm.s32 $0x0;
	s20 =	sshll.u32 s5, $0x1;
	s5 =	sadd.s32 s21, s3  }
0x9d: {  	[timem:s7], [sflag:s22] =	dma.local [hbm:s5], s20  }
0x9e: {  	_ =	swait.ge [sflag:s22], s20  }
0x9f: {  	s4 =	ssub.s32 $0x0, s20;
	[sflag:s22] =	ssyncset.done $0x0  }
0xa0: {  	[sflag:s22] =	ssyncadd.s32 s4;
	_ =	sdelay $0x1  }
0xa1: {  	s23 =	simm.s32 $0x1B8B  }
0xa2: {  	_ =	swait.ge [sflag:s23], $0x1  }
0xa3: {  	[sflag:s23] =	ssyncset.done $0x0  }
0xa4: {  	s25 =	simm.s32 $0x1B8E;
	s24 =	sld [smem:$0x3FFE];
	[sflag:s23] =	ssyncadd.s32 $0xFFFFFFFF  }
0xa5: {  	s26 =	simm.s32 $execute0_lowered;
	[smem:$0x3FD2] =	sst s25  }
0xa6: {  	s5 =	sshll.u32 s26, $0x1;
	_ =	strace $0x80000046;
	[dreg:$0x1] =	wrdreg $0xFFFFFFFF  }
0xa7: {  	s28 =	simm.s32 $_size_execute0_lowered;
	s3 =	sadd.s32 s3, s5;
	[dreg:$0x0] =	wrdreg $0x0  }
0xa8: {  	s5 =	sshll.u32 s28, $0x1;
	[dreg:$0x2] =	wrdreg s3  }
0xa9: {  	[dreg:$0x3] =	wrdreg s5  }
0xaa: {  	[dreg:$0x4] =	wrdreg $0xC0  }
0xab: {  	_ =	task [dreg:s7], $0x5FFFF  }
0xac: {  	[dreg:$0x1] =	wrdreg $0xFFFFFFFF  }
0xad: {  	[dreg:$0x0] =	wrdreg $0x60  }
0xae: {  	[dreg:$0x2] =	wrdreg s24  }
0xaf: {  	[dreg:$0x3] =	wrdreg s2  }
0xb0: {  	[dreg:$0x4] =	wrdreg $0x9  }
0xb1: {  	_ =	task.clear_ibuf [dreg:s7], $0x5FFFF;
	_ =	strace $0x90000046  }
0xb2: {  	s29 =	simm.s32 $0x9;
	_ =	strace $0x80000048  }
0xb3: {  	_ =	swait.ge [sflag:s29], $0x1  }
0xb4: {  	[sflag:s29] =	ssyncadd.s32 $0xFFFFFFFF  }
0xb5: {  	_ =	strace $0x90000048  }
0xb6: {  	_ =	sfence  }
0xb7: {  	s30 =	sld [smem:$0x0];
	_ =	sdelay $0x2  }
0xb8: {  	s31 =	sshll.u32 s1, $0xD;
	s1 =	sshrl.u32 s1, $0x2  }
0xb9: {  	s3 =	sand.u32 $0x4000, s31;
	s1 =	sadd.s32 s1, s30  }
0xba: {  	s0 =	sor.u32 s3, s0;
	s1 =	sshll.u32 s1, $0x11  }
0xbb: {  	s0 =	sor.u32 s1, s0  }
0xbc: {  	s0 =	sadd.s32 $0x8F2B, s0  }
0xbd: {  	[sflag:s0] =	ssyncadd.remote.s32 $0x1  }
0xbe: {  	_ =	sfence.sel $0xFFFF  }
0xbf: {  	[dreg:$0x0] =	wrdreg $0xFFFFFFFF;
	(pc) =	sbr.abs _section_cstart, $3  }
0xc0: {  	[dreg:$0x1] =	wrdreg $0xFFFFFFFF  }
0xc1: {  	_ =	task.clear_ibuf [dreg:s7], $0x2FFFF;
	_ =	strace $0x9FFFFFFF  }
0xc2: {  	(tm) =	ssettm $0x7FFFFFFF  }
0xc3: {  	_ =	shalt  }
tec
execute0_lowered:
.L_overlay_start_1:
0x0: {  	(tag) =	ssettag $0x1  }
0x1: {  	s3 =	rddreg [dreg:$0x0]  }
0x2: {  	s6 =	rddreg [dreg:$0x1];
	s1 =	simm.s32 $0x0  }
0x3: {  	v0 =	vimm.f32 $0.0e+00;
	[smem:$0x7FF] =	sst s1  }
0x4: {  	s0 =	rddreg [dreg:$0x2];
	_ =	strace $0x80000047;
	[tilespmem:$0x20] =	vst v0  }
0x5: {  	[tilespmem:$0x30] =	vst v0  }
0x6: {  	[tilespmem:$0x40] =	vst v0  }
0x7: {  	[tilespmem:$0x50] =	vst v0  }
0x8: {  	[tilespmem:$0x0] =	vst v0  }
0x9: {  	[tilespmem:$0x1F0] =	vst v0  }
0xa: {  	[tilespmem:$0x1E0] =	vst v0  }
0xb: {  	[tilespmem:$0x1D0] =	vst v0  }
0xc: {  	[tilespmem:$0x1C0] =	vst v0  }
0xd: {  	[tilespmem:$0x1B0] =	vst v0  }
0xe: {  	[tilespmem:$0x1A0] =	vst v0  }
0xf: {  	[tilespmem:$0x190] =	vst v0  }
0x10: {  	[tilespmem:$0x180] =	vst v0  }
0x11: {  	[tilespmem:$0x170] =	vst v0  }
0x12: {  	[tilespmem:$0x160] =	vst v0  }
0x13: {  	[tilespmem:$0x150] =	vst v0  }
0x14: {  	[tilespmem:$0x140] =	vst v0  }
0x15: {  	[tilespmem:$0x130] =	vst v0  }
0x16: {  	[tilespmem:$0x120] =	vst v0  }
0x17: {  	[tilespmem:$0x110] =	vst v0  }
0x18: {  	[tilespmem:$0x100] =	vst v0  }
0x19: {  	[tilespmem:$0xF0] =	vst v0  }
0x1a: {  	[tilespmem:$0xE0] =	vst v0  }
0x1b: {  	[tilespmem:$0xD0] =	vst v0  }
0x1c: {  	[tilespmem:$0xC0] =	vst v0  }
0x1d: {  	s4 =	srdreg.scid;
	[tilespmem:$0xB0] =	vst v0  }
0x1e: {  	s2 =	stileid.u32;
	s4 =	sand.u32 $0x1, s4;
	[tilespmem:$0xA0] =	vst v0  }
0x1f: {  	s5 =	sshll.u32 s2, $0xA;
	s7 =	sshll.u32 s4, $0x9;
	[tilespmem:$0x90] =	vst v0  }
0x20: {  	[tilespmem:$0x80] =	vst v0;
	s8 =	ssub.s32 $0x2, s4;
	s7 =	sor.u32 s7, s5  }
0x21: {  	[tilespmem:$0x70] =	vst v0;
	s9 =	sshrl.u32 s8, $0x1;
	s5 =	sshll.u32 s7, $0xB  }
0x22: {  	[tilespmem:$0x60] =	vst v0;
	s4 =	simm.s32 $0x1;
	s8 =	ssub.s32 s8, s9;
	s3 =	sadd.s32 s5, s3  }
0x23: {  	[tilespmem:$0x10] =	vst v0;
	s5 =	simm.s32 $0x200;
	s31 =	smax.u32 s8, $0x1;
	s3 =	sadd.s32 $0x400, s3  }
0x24: {  	[tilespmem:s5], [sflag:$0x1] =	stream.linear.gather [hbm4b:s3+s1], $0x400, $0x38;
	[tilespmem:$0x600] =	vst v63  }
0x25: {  	p0 =	sne.s32 s31, $0x1;
	_ =	swait.ge [sflag:s4], $0x400  }
.Ltmp0:
0x26: {  	s7 =	sshrl.u32 s7, $0x3;
	[sflag:s4] =	ssyncset.done $0x0;
	(pc) =	sbr.rel @!p0 .LBB2_2-.Ltmp0, $4  }
0x27: {  	s6 =	sadd.s32 s6, s7;
	[sflag:s4] =	ssyncadd.s32 $0xFFFFFC00  }
0x28: {  	[hbm4b:s6+s1] =	stream.linear.scatter [tilespmem:s1], [sflag:$0x1], $0x200, $0x38;
	[tilespmem:$0x600] =	vst v63  }
0x29: {  	_ =	swait.ge [sflag:s4], $0x200  }
0x2a: {  	s7 =	sadd.s32 $0xFFFFFFFF, s31;
	[sflag:s4] =	ssyncset.done $0x0  }
.LBB2_1:
0x2b: {  	p0 =	sne.s32 s7, $0x1;
	s7 =	sadd.s32 $0xFFFFFFFF, s7;
	[sflag:s4] =	ssyncadd.s32 $0xFFFFFE00  }
0x2c: {  	[tilespmem:$0x20] =	vst v0  }
0x2d: {  	[tilespmem:$0x30] =	vst v0  }
0x2e: {  	[tilespmem:$0x40] =	vst v0  }
0x2f: {  	[tilespmem:$0x50] =	vst v0  }
0x30: {  	[tilespmem:$0x0] =	vst v0  }
0x31: {  	[tilespmem:$0x1F0] =	vst v0  }
0x32: {  	[tilespmem:$0x1E0] =	vst v0  }
0x33: {  	[tilespmem:$0x1D0] =	vst v0  }
0x34: {  	[tilespmem:$0x1C0] =	vst v0  }
0x35: {  	[tilespmem:$0x1B0] =	vst v0  }
0x36: {  	[tilespmem:$0x1A0] =	vst v0  }
0x37: {  	[tilespmem:$0x190] =	vst v0  }
0x38: {  	[tilespmem:$0x180] =	vst v0  }
0x39: {  	[tilespmem:$0x170] =	vst v0  }
0x3a: {  	[tilespmem:$0x160] =	vst v0  }
0x3b: {  	[tilespmem:$0x150] =	vst v0  }
0x3c: {  	[tilespmem:$0x140] =	vst v0  }
0x3d: {  	[tilespmem:$0x130] =	vst v0  }
0x3e: {  	[tilespmem:$0x120] =	vst v0  }
0x3f: {  	[tilespmem:$0x110] =	vst v0  }
0x40: {  	[tilespmem:$0x100] =	vst v0  }
0x41: {  	[tilespmem:$0xF0] =	vst v0  }
0x42: {  	[tilespmem:$0xE0] =	vst v0  }
0x43: {  	[tilespmem:$0xD0] =	vst v0  }
0x44: {  	[tilespmem:$0xC0] =	vst v0  }
0x45: {  	[tilespmem:$0xB0] =	vst v0  }
0x46: {  	[tilespmem:$0xA0] =	vst v0  }
0x47: {  	[tilespmem:$0x90] =	vst v0  }
0x48: {  	[tilespmem:$0x80] =	vst v0  }
0x49: {  	[tilespmem:$0x70] =	vst v0  }
0x4a: {  	[tilespmem:$0x60] =	vst v0  }
0x4b: {  	[tilespmem:$0x10] =	vst v0  }
0x4c: {  	[tilespmem:s5], [sflag:$0x1] =	stream.linear.gather [hbm4b:s3+s1], $0x400, $0x38;
	[tilespmem:$0x600] =	vst v63  }
0x4d: {  	_ =	swait.ge [sflag:s4], $0x400  }
.Ltmp1:
0x4e: {  	[sflag:s4] =	ssyncset.done $0x0;
	(pc) =	sbr.rel @p0 .LBB2_1-.Ltmp1, $4  }
0x4f: {  	[sflag:s4] =	ssyncadd.s32 $0xFFFFFC00  }
0x50: {  	[hbm4b:s6+s1] =	stream.linear.scatter [tilespmem:s1], [sflag:$0x1], $0x200, $0x38;
	[tilespmem:$0x600] =	vst v63  }
0x51: {  	_ =	swait.ge [sflag:s4], $0x200  }
0x52: {  	[sflag:s4] =	ssyncset.done $0x0  }
.LBB2_2:
0x53: {  	[sflag:s4] =	ssyncadd.s32 $0xFFFFFE00  }
0x54: {  	_ =	sfence.sel $0x180000  }
0x55: {  	[bflag:$0x0] =	sbarrier.arrive $0xFFFF  }
0x56: {  	p0 =	sne.s32 s2, $0x0;
	_ =	strace $0x90000047  }
0x57: {  	s0 =	sadd.s32 @!p0 $0x100000, s0;
	[bflag:$0x2] =	sbarrier.arrive $0xFFFF  }
0x58: {  	[sflag:s0] =	ssyncadd.tile.s32 @!p0 $0x1;
	_ =	shalt  }
.Lfunc_end2:
_tile_overlayer_lowered:
.L_overlay_start_2:
0x59: {  	(tag) =	ssettag $0x2  }
0x5a: {  	s0 =	rddreg [dreg:$0x0];
	s2 =	stileid.u32  }
0x5b: {  	s1 =	rddreg [dreg:$0x1];
	p0 =	sne.s32 s2, $0x0  }
0x5c: {  	s3 =	rddreg [dreg:$0x2];
	[bflag:$0x3] =	sbarrier.arrive $0xFFFF;
	s2 =	simm.s32 @!p0 $0x1C01  }
0x5d: {  	[timem:s3], [sflag:s2] =	dma.local @!p0 [hbm:s0], s1  }
0x5e: {  	s0 =	simm.s32 @!p0 $0x1  }
0x5f: {  	_ =	swait.ge @!p0 [sflag:s0], s1  }
0x60: {  	s1 =	ssub.s32 @!p0 $0x0, s1;
	[sflag:s0] =	ssyncset.done @!p0 $0x0  }
0x61: {  	[sflag:s0] =	ssyncadd.s32 @!p0 s1  }
0x62: {  	[bflag:$0x3] =	sbarrier.arrive $0xFFFF  }
0x63: {  	_ =	shalt  }

</sc_bundles>
